<compile_context>
chip_gen: v7x
topology: tpu7x:2x2x1
jax: 0.10.2.dev20260603
libtpu: 0.0.44.dev20260713+nightly
codegen_flags: <defaults>
</compile_context>

<pallas_src>
import functools

import jax
import jax.numpy as jnp
from jax import lax
from jax.experimental import pallas as pl
from jax.experimental.pallas import tpu as pltpu
from jax.experimental.pallas import tpu_sc as plsc

TN = 512
TK = 1024


def _dist_argmin_body(z_ref, c_ref, idx_ref, sum_ref):
    n = pl.program_id(0)
    z = z_ref[...]
    z2 = jnp.sum(z * z, axis=1, keepdims=True)
    k_total = c_ref.shape[0]

    def body(j, carry):
        run_min, run_idx = carry
        cb = c_ref[pl.ds(j * TK, TK), :]
        e2 = jnp.sum(cb * cb, axis=1)[None, :]
        ze = 2.0 * lax.dot_general(
            z, cb, (((1,), (1,)), ((), ())),
            preferred_element_type=jnp.float32)
        dist = z2 + e2 - ze
        rowmin = jnp.min(dist, axis=1, keepdims=True)
        cols = lax.broadcasted_iota(jnp.int32, dist.shape, 1) + j * TK
        cand = jnp.where(dist == rowmin, cols, jnp.int32(2**31 - 1))
        lidx = jnp.min(cand, axis=1)
        rmin = rowmin[:, 0]
        better = rmin < run_min
        return (jnp.where(better, rmin, run_min),
                jnp.where(better, lidx, run_idx))

    init = (jnp.full((TN,), jnp.inf, jnp.float32),
            jnp.zeros((TN,), jnp.int32))
    run_min, run_idx = lax.fori_loop(0, k_total // TK, body, init)
    idx_ref[0, 0, :] = run_idx

    @pl.when(n == 0)
    def _():
        sum_ref[0, 0] = 0.0

    sum_ref[0, 0] += jnp.sum(run_min)


def _dist_argmin(z_flat, codebook):
    n_rows, d = z_flat.shape
    k_total = codebook.shape[0]
    nt = n_rows // TN
    idx, dsum = pl.pallas_call(
        _dist_argmin_body,
        grid=(nt,),
        in_specs=[
            pl.BlockSpec((TN, d), lambda n: (n, 0)),
            pl.BlockSpec((k_total, d), lambda n: (0, 0)),
        ],
        out_specs=[
            pl.BlockSpec((1, 1, TN), lambda n: (n, 0, 0)),
            pl.BlockSpec((1, 1), lambda n: (0, 0),
                         memory_space=pltpu.SMEM),
        ],
        out_shape=[
            jax.ShapeDtypeStruct((nt, 1, TN), jnp.int32),
            jax.ShapeDtypeStruct((1, 1), jnp.float32),
        ],
    )(z_flat, codebook)
    return idx.reshape(n_rows), dsum[0, 0]


def _make_sc_gather(k_total, d, n_rows):
    info = plsc.get_sparse_core_info()
    nc, ns = info.num_cores, info.num_subcores
    nw = nc * ns
    rows_per_w = n_rows // nw
    n_chunks = rows_per_w // 128
    mesh = plsc.VectorSubcoreMesh(core_axis_name="c", subcore_axis_name="s")

    @functools.partial(
        pl.kernel, mesh=mesh,
        out_type=jax.ShapeDtypeStruct((n_rows, d), jnp.float32),
        scratch_types=[
            pltpu.VMEM((n_chunks, 128), jnp.int32),
            pltpu.VMEM((rows_per_w, d), jnp.float32),
            pltpu.SemaphoreType.DMA,
        ],
        compiler_params=pltpu.CompilerParams(use_tc_tiling_on_sc=False),
    )
    def gather_k(table_hbm, idx_hbm, out_hbm, idx_v, rows_v, sem):
        wid = lax.axis_index("s") * nc + lax.axis_index("c")
        base = wid * rows_per_w
        pltpu.sync_copy(idx_hbm.at[wid], idx_v)
        copies = [
            pltpu.async_copy(
                table_hbm.at[idx_v.at[j]],
                rows_v.at[pl.ds(j * 128, 128)],
                sem,
            )
            for j in range(n_chunks)
        ]
        for cp in copies:
            cp.wait()
        pltpu.sync_copy(rows_v, out_hbm.at[pl.ds(base, rows_per_w)])

    return gather_k, nw, n_chunks


def kernel(z_e, codebook):
    b, h, w, d = z_e.shape
    k_total = codebook.shape[0]
    n_rows = b * h * w
    z_flat = z_e.reshape(n_rows, d)

    idx_flat, dist_sum = _dist_argmin(z_flat, codebook)

    gather_k, nw, n_chunks = _make_sc_gather(k_total, d, n_rows)
    idx3 = idx_flat.reshape(nw, n_chunks, 128)
    z_q = gather_k(codebook, idx3).reshape(b, h, w, d)

    loss = dist_sum / jnp.float32(n_rows * d)
    return (z_q, idx_flat.reshape(b, h, w), loss, loss)

# --- scband reference (transcript-rebuilt; emitter-appended) ---
"""Pipeline reference for scband-vector-quantizer-76338748719692 (READ-ONLY COPY).

The authoritative reference and input builder live on the scoring server;
editing this copy changes nothing except your own understanding.
"""

import jax, jax.numpy as jnp
import numpy as np

B, H, W, D = 16, 32, 32, 64
K = 8192

def setup_inputs(seed: int = 0) -> dict:
    key = jax.random.key(seed)
    k1, k2 = jax.random.split(key)
    z_e = jax.random.normal(k1, (B, H, W, D), dtype=jnp.float32)
    # flax nn.initializers.uniform(scale=1.0) -> U(0, 1)
    codebook = jax.random.uniform(k2, (K, D), dtype=jnp.float32, minval=0.0, maxval=1.0)
    return {"z_e": z_e, "codebook": codebook}

def reference(z_e, codebook):
    b, h, w, d = z_e.shape
    z_flat = z_e.reshape(-1, d)
    z2 = jnp.sum(z_flat ** 2, axis=1, keepdims=True)
    e2 = jnp.sum(codebook ** 2, axis=1)[None, :]
    ze = 2.0 * (z_flat @ codebook.T)
    dist = z2 + e2 - ze
    idx = jnp.argmin(dist, axis=1)
    z_q = jnp.take(codebook, idx, axis=0).reshape(b, h, w, d)
    z_st = z_e + jax.lax.stop_gradient(z_q - z_e)
    commit = jnp.mean((jax.lax.stop_gradient(z_q) - z_e) ** 2)
    codebook_loss = jnp.mean((z_q - jax.lax.stop_gradient(z_e)) ** 2)
    return (z_st, idx.reshape(b, h, w), commit, codebook_loss)

if __name__ == "__main__":
    import jax
    _d = setup_inputs()
    print(jax.jit(kernel)(*tuple(_d.values())))

</pallas_src>

<mosaic_0001>
#map = affine_map<(d0, d1) -> (0, 0)>
#map1 = affine_map<(d0, d1) -> (0, 0, 0)>
module attributes {stable_mosaic.version = 14 : i64} {
  func.func @gather_k(%arg0: i32, %arg1: i32, %arg2: memref<8192x64xf32, #tpu.memory_space<hbm>>, %arg3: memref<32x4x128xi32, #tpu.memory_space<hbm>>, %arg4: memref<16384x64xf32, #tpu.memory_space<hbm>>, %arg5: memref<4x128xi32, #tpu.memory_space<vmem>>, %arg6: memref<512x64xf32, #tpu.memory_space<vmem>>, %arg7: memref<!tpu.dma_semaphore, #tpu.memory_space<semaphore_mem>>) attributes {dimension_semantics = [#tpu.dimension_semantics<core_parallel>, #tpu.dimension_semantics<subcore_parallel>], iteration_bounds = array<i64: 2, 16>, scalar_prefetch = 0 : i64, scratch_operands = 3 : i64, tpu.core_type = #tpu.core_type<sc_vector_subcore>, window_params = [{transform_indices = #map}, {transform_indices = #map1}, {transform_indices = #map}]} {
    %mul3A = arith.constant 2 : i32
    %mul3A_0 = arith.muli %arg1, %mul3A : i32
    %add3A = arith.addi %mul3A_0, %arg0 : i32
    %mul3A_1 = arith.constant 512 : i32
    %mul3A_2 = arith.muli %add3A, %mul3A_1 : i32
    "tpu.region"() ({
      %run_scoped3A = tpu.sem_alloc : memref<!tpu.dma_semaphore, #tpu.memory_space<semaphore_mem>>
      %dma_start3A_81 = arith.constant 0 : i32
      %dma_start3A_82 = arith.constant 0 : i32
      %dma_start3A_83 = tpu.memref_slice %arg3[%add3A, %dma_start3A_81, %dma_start3A_82] : memref<32x4x128xi32, #tpu.memory_space<hbm>> -> memref<1x4x128xi32, #tpu.memory_space<hbm>>
      %dma_start3A_84 = tpu.memref_squeeze %dma_start3A_83 : memref<1x4x128xi32, #tpu.memory_space<hbm>> -> memref<4x128xi32, #tpu.memory_space<hbm>>
      %dma_start3A_85 = arith.constant 0 : i32
      %dma_start3A_86 = arith.constant 0 : i32
      %dma_start3A_87 = tpu.memref_slice %arg3[%add3A, %dma_start3A_85, %dma_start3A_86] : memref<32x4x128xi32, #tpu.memory_space<hbm>> -> memref<1x4x128xi32, #tpu.memory_space<hbm>>
      %dma_start3A_88 = tpu.memref_squeeze %dma_start3A_87 : memref<1x4x128xi32, #tpu.memory_space<hbm>> -> memref<4x128xi32, #tpu.memory_space<hbm>>
      tpu.enqueue_dma source(%dma_start3A_88 : memref<4x128xi32, #tpu.memory_space<hbm>>) target(%arg5 : memref<4x128xi32, #tpu.memory_space<vmem>>) target_semaphore(%run_scoped3A : memref<!tpu.dma_semaphore, #tpu.memory_space<semaphore_mem>>)
      %dma_wait3A_89 = arith.constant 0 : i32
      %dma_wait3A_90 = arith.constant 0 : i32
      %dma_wait3A_91 = tpu.memref_slice %arg3[%add3A, %dma_wait3A_89, %dma_wait3A_90] : memref<32x4x128xi32, #tpu.memory_space<hbm>> -> memref<1x4x128xi32, #tpu.memory_space<hbm>>
      %dma_wait3A_92 = tpu.memref_squeeze %dma_wait3A_91 : memref<1x4x128xi32, #tpu.memory_space<hbm>> -> memref<4x128xi32, #tpu.memory_space<hbm>>
      %dma_wait3A_93 = arith.constant 0 : i32
      %dma_wait3A_94 = arith.constant 0 : i32
      %dma_wait3A_95 = tpu.memref_slice %arg3[%add3A, %dma_wait3A_93, %dma_wait3A_94] : memref<32x4x128xi32, #tpu.memory_space<hbm>> -> memref<1x4x128xi32, #tpu.memory_space<hbm>>
      %dma_wait3A_96 = tpu.memref_squeeze %dma_wait3A_95 : memref<1x4x128xi32, #tpu.memory_space<hbm>> -> memref<4x128xi32, #tpu.memory_space<hbm>>
      tpu.wait_dma2 semaphore(%run_scoped3A : memref<!tpu.dma_semaphore, #tpu.memory_space<semaphore_mem>>) src(%dma_wait3A_96 : memref<4x128xi32, #tpu.memory_space<hbm>>) dst(%arg5 : memref<4x128xi32, #tpu.memory_space<vmem>>)
      tpu.yield
    }) : () -> ()
    %dma_start3A = arith.constant 0 : i32
    %dma_start3A_3 = arith.constant 0 : i32
    %dma_start3A_4 = arith.constant 0 : i32
    %dma_start3A_5 = tpu.memref_slice %arg6[%dma_start3A_3, %dma_start3A_4] : memref<512x64xf32, #tpu.memory_space<vmem>> -> memref<128x64xf32, #tpu.memory_space<vmem>>
    %dma_start3A_6 = arith.constant 0 : i32
    %dma_start3A_7 = tpu.memref_slice %arg5[%dma_start3A, %dma_start3A_6] : memref<4x128xi32, #tpu.memory_space<vmem>> -> memref<1x128xi32, #tpu.memory_space<vmem>>
    %dma_start3A_8 = tpu.memref_squeeze %dma_start3A_7 : memref<1x128xi32, #tpu.memory_space<vmem>> -> memref<128xi32, #tpu.memory_space<vmem>>
    %dma_start3A_9 = arith.constant 0 : i32
    %dma_start3A_10 = arith.constant 0 : i32
    %dma_start3A_11 = tpu.memref_slice %arg2[%dma_start3A_9, %dma_start3A_10] : memref<8192x64xf32, #tpu.memory_space<hbm>> -> memref<8192x64xf32, #tpu.memory_space<hbm>>
    tpu.enqueue_indirect_dma source(%dma_start3A_11 : memref<8192x64xf32, #tpu.memory_space<hbm>>) target(%dma_start3A_5 : memref<128x64xf32, #tpu.memory_space<vmem>>) offsets(%dma_start3A_8 : memref<128xi32, #tpu.memory_space<vmem>>) semaphore(%arg7 : memref<!tpu.dma_semaphore, #tpu.memory_space<semaphore_mem>>)
    %dma_start3A_12 = arith.constant 1 : i32
    %dma_start3A_13 = arith.constant 128 : i32
    %dma_start3A_14 = arith.constant 0 : i32
    %dma_start3A_15 = tpu.memref_slice %arg6[%dma_start3A_13, %dma_start3A_14] : memref<512x64xf32, #tpu.memory_space<vmem>> -> memref<128x64xf32, #tpu.memory_space<vmem>>
    %dma_start3A_16 = arith.constant 0 : i32
    %dma_start3A_17 = tpu.memref_slice %arg5[%dma_start3A_12, %dma_start3A_16] : memref<4x128xi32, #tpu.memory_space<vmem>> -> memref<1x128xi32, #tpu.memory_space<vmem>>
    %dma_start3A_18 = tpu.memref_squeeze %dma_start3A_17 : memref<1x128xi32, #tpu.memory_space<vmem>> -> memref<128xi32, #tpu.memory_space<vmem>>
    %dma_start3A_19 = arith.constant 0 : i32
    %dma_start3A_20 = arith.constant 0 : i32
    %dma_start3A_21 = tpu.memref_slice %arg2[%dma_start3A_19, %dma_start3A_20] : memref<8192x64xf32, #tpu.memory_space<hbm>> -> memref<8192x64xf32, #tpu.memory_space<hbm>>
    tpu.enqueue_indirect_dma source(%dma_start3A_21 : memref<8192x64xf32, #tpu.memory_space<hbm>>) target(%dma_start3A_15 : memref<128x64xf32, #tpu.memory_space<vmem>>) offsets(%dma_start3A_18 : memref<128xi32, #tpu.memory_space<vmem>>) semaphore(%arg7 : memref<!tpu.dma_semaphore, #tpu.memory_space<semaphore_mem>>)
    %dma_start3A_22 = arith.constant 2 : i32
    %dma_start3A_23 = arith.constant 256 : i32
    %dma_start3A_24 = arith.constant 0 : i32
    %dma_start3A_25 = tpu.memref_slice %arg6[%dma_start3A_23, %dma_start3A_24] : memref<512x64xf32, #tpu.memory_space<vmem>> -> memref<128x64xf32, #tpu.memory_space<vmem>>
    %dma_start3A_26 = arith.constant 0 : i32
    %dma_start3A_27 = tpu.memref_slice %arg5[%dma_start3A_22, %dma_start3A_26] : memref<4x128xi32, #tpu.memory_space<vmem>> -> memref<1x128xi32, #tpu.memory_space<vmem>>
    %dma_start3A_28 = tpu.memref_squeeze %dma_start3A_27 : memref<1x128xi32, #tpu.memory_space<vmem>> -> memref<128xi32, #tpu.memory_space<vmem>>
    %dma_start3A_29 = arith.constant 0 : i32
    %dma_start3A_30 = arith.constant 0 : i32
    %dma_start3A_31 = tpu.memref_slice %arg2[%dma_start3A_29, %dma_start3A_30] : memref<8192x64xf32, #tpu.memory_space<hbm>> -> memref<8192x64xf32, #tpu.memory_space<hbm>>
    tpu.enqueue_indirect_dma source(%dma_start3A_31 : memref<8192x64xf32, #tpu.memory_space<hbm>>) target(%dma_start3A_25 : memref<128x64xf32, #tpu.memory_space<vmem>>) offsets(%dma_start3A_28 : memref<128xi32, #tpu.memory_space<vmem>>) semaphore(%arg7 : memref<!tpu.dma_semaphore, #tpu.memory_space<semaphore_mem>>)
    %dma_start3A_32 = arith.constant 3 : i32
    %dma_start3A_33 = arith.constant 384 : i32
    %dma_start3A_34 = arith.constant 0 : i32
    %dma_start3A_35 = tpu.memref_slice %arg6[%dma_start3A_33, %dma_start3A_34] : memref<512x64xf32, #tpu.memory_space<vmem>> -> memref<128x64xf32, #tpu.memory_space<vmem>>
    %dma_start3A_36 = arith.constant 0 : i32
    %dma_start3A_37 = tpu.memref_slice %arg5[%dma_start3A_32, %dma_start3A_36] : memref<4x128xi32, #tpu.memory_space<vmem>> -> memref<1x128xi32, #tpu.memory_space<vmem>>
    %dma_start3A_38 = tpu.memref_squeeze %dma_start3A_37 : memref<1x128xi32, #tpu.memory_space<vmem>> -> memref<128xi32, #tpu.memory_space<vmem>>
    %dma_start3A_39 = arith.constant 0 : i32
    %dma_start3A_40 = arith.constant 0 : i32
    %dma_start3A_41 = tpu.memref_slice %arg2[%dma_start3A_39, %dma_start3A_40] : memref<8192x64xf32, #tpu.memory_space<hbm>> -> memref<8192x64xf32, #tpu.memory_space<hbm>>
    tpu.enqueue_indirect_dma source(%dma_start3A_41 : memref<8192x64xf32, #tpu.memory_space<hbm>>) target(%dma_start3A_35 : memref<128x64xf32, #tpu.memory_space<vmem>>) offsets(%dma_start3A_38 : memref<128xi32, #tpu.memory_space<vmem>>) semaphore(%arg7 : memref<!tpu.dma_semaphore, #tpu.memory_space<semaphore_mem>>)
    %dma_wait3A = arith.constant 0 : i32
    %dma_wait3A_42 = arith.constant 0 : i32
    %dma_wait3A_43 = arith.constant 0 : i32
    %dma_wait3A_44 = tpu.memref_slice %arg6[%dma_wait3A_42, %dma_wait3A_43] : memref<512x64xf32, #tpu.memory_space<vmem>> -> memref<128x64xf32, #tpu.memory_space<vmem>>
    %dma_wait3A_45 = arith.constant 0 : i32
    %dma_wait3A_46 = tpu.memref_slice %arg5[%dma_wait3A, %dma_wait3A_45] : memref<4x128xi32, #tpu.memory_space<vmem>> -> memref<1x128xi32, #tpu.memory_space<vmem>>
    %dma_wait3A_47 = tpu.memref_squeeze %dma_wait3A_46 : memref<1x128xi32, #tpu.memory_space<vmem>> -> memref<128xi32, #tpu.memory_space<vmem>>
    %dma_wait3A_48 = arith.constant 0 : i32
    %dma_wait3A_49 = arith.constant 0 : i32
    %dma_wait3A_50 = tpu.memref_slice %arg2[%dma_wait3A_48, %dma_wait3A_49] : memref<8192x64xf32, #tpu.memory_space<hbm>> -> memref<8192x64xf32, #tpu.memory_space<hbm>>
    tpu.wait_indirect_dma semaphore(%arg7 : memref<!tpu.dma_semaphore, #tpu.memory_space<semaphore_mem>>) src(%dma_wait3A_50 : memref<8192x64xf32, #tpu.memory_space<hbm>>) dst(%dma_wait3A_44 : memref<128x64xf32, #tpu.memory_space<vmem>>)
    %dma_wait3A_51 = arith.constant 1 : i32
    %dma_wait3A_52 = arith.constant 128 : i32
    %dma_wait3A_53 = arith.constant 0 : i32
    %dma_wait3A_54 = tpu.memref_slice %arg6[%dma_wait3A_52, %dma_wait3A_53] : memref<512x64xf32, #tpu.memory_space<vmem>> -> memref<128x64xf32, #tpu.memory_space<vmem>>
    %dma_wait3A_55 = arith.constant 0 : i32
    %dma_wait3A_56 = tpu.memref_slice %arg5[%dma_wait3A_51, %dma_wait3A_55] : memref<4x128xi32, #tpu.memory_space<vmem>> -> memref<1x128xi32, #tpu.memory_space<vmem>>
    %dma_wait3A_57 = tpu.memref_squeeze %dma_wait3A_56 : memref<1x128xi32, #tpu.memory_space<vmem>> -> memref<128xi32, #tpu.memory_space<vmem>>
    %dma_wait3A_58 = arith.constant 0 : i32
    %dma_wait3A_59 = arith.constant 0 : i32
    %dma_wait3A_60 = tpu.memref_slice %arg2[%dma_wait3A_58, %dma_wait3A_59] : memref<8192x64xf32, #tpu.memory_space<hbm>> -> memref<8192x64xf32, #tpu.memory_space<hbm>>
    tpu.wait_indirect_dma semaphore(%arg7 : memref<!tpu.dma_semaphore, #tpu.memory_space<semaphore_mem>>) src(%dma_wait3A_60 : memref<8192x64xf32, #tpu.memory_space<hbm>>) dst(%dma_wait3A_54 : memref<128x64xf32, #tpu.memory_space<vmem>>)
    %dma_wait3A_61 = arith.constant 2 : i32
    %dma_wait3A_62 = arith.constant 256 : i32
    %dma_wait3A_63 = arith.constant 0 : i32
    %dma_wait3A_64 = tpu.memref_slice %arg6[%dma_wait3A_62, %dma_wait3A_63] : memref<512x64xf32, #tpu.memory_space<vmem>> -> memref<128x64xf32, #tpu.memory_space<vmem>>
    %dma_wait3A_65 = arith.constant 0 : i32
    %dma_wait3A_66 = tpu.memref_slice %arg5[%dma_wait3A_61, %dma_wait3A_65] : memref<4x128xi32, #tpu.memory_space<vmem>> -> memref<1x128xi32, #tpu.memory_space<vmem>>
    %dma_wait3A_67 = tpu.memref_squeeze %dma_wait3A_66 : memref<1x128xi32, #tpu.memory_space<vmem>> -> memref<128xi32, #tpu.memory_space<vmem>>
    %dma_wait3A_68 = arith.constant 0 : i32
    %dma_wait3A_69 = arith.constant 0 : i32
    %dma_wait3A_70 = tpu.memref_slice %arg2[%dma_wait3A_68, %dma_wait3A_69] : memref<8192x64xf32, #tpu.memory_space<hbm>> -> memref<8192x64xf32, #tpu.memory_space<hbm>>
    tpu.wait_indirect_dma semaphore(%arg7 : memref<!tpu.dma_semaphore, #tpu.memory_space<semaphore_mem>>) src(%dma_wait3A_70 : memref<8192x64xf32, #tpu.memory_space<hbm>>) dst(%dma_wait3A_64 : memref<128x64xf32, #tpu.memory_space<vmem>>)
    %dma_wait3A_71 = arith.constant 3 : i32
    %dma_wait3A_72 = arith.constant 384 : i32
    %dma_wait3A_73 = arith.constant 0 : i32
    %dma_wait3A_74 = tpu.memref_slice %arg6[%dma_wait3A_72, %dma_wait3A_73] : memref<512x64xf32, #tpu.memory_space<vmem>> -> memref<128x64xf32, #tpu.memory_space<vmem>>
    %dma_wait3A_75 = arith.constant 0 : i32
    %dma_wait3A_76 = tpu.memref_slice %arg5[%dma_wait3A_71, %dma_wait3A_75] : memref<4x128xi32, #tpu.memory_space<vmem>> -> memref<1x128xi32, #tpu.memory_space<vmem>>
    %dma_wait3A_77 = tpu.memref_squeeze %dma_wait3A_76 : memref<1x128xi32, #tpu.memory_space<vmem>> -> memref<128xi32, #tpu.memory_space<vmem>>
    %dma_wait3A_78 = arith.constant 0 : i32
    %dma_wait3A_79 = arith.constant 0 : i32
    %dma_wait3A_80 = tpu.memref_slice %arg2[%dma_wait3A_78, %dma_wait3A_79] : memref<8192x64xf32, #tpu.memory_space<hbm>> -> memref<8192x64xf32, #tpu.memory_space<hbm>>
    tpu.wait_indirect_dma semaphore(%arg7 : memref<!tpu.dma_semaphore, #tpu.memory_space<semaphore_mem>>) src(%dma_wait3A_80 : memref<8192x64xf32, #tpu.memory_space<hbm>>) dst(%dma_wait3A_74 : memref<128x64xf32, #tpu.memory_space<vmem>>)
    "tpu.region"() ({
      %run_scoped3A = tpu.sem_alloc : memref<!tpu.dma_semaphore, #tpu.memory_space<semaphore_mem>>
      %dma_start3A_81 = arith.constant 0 : i32
      %dma_start3A_82 = tpu.memref_slice %arg4[%mul3A_2, %dma_start3A_81] : memref<16384x64xf32, #tpu.memory_space<hbm>> -> memref<512x64xf32, #tpu.memory_space<hbm>>
      %dma_start3A_83 = arith.constant 0 : i32
      %dma_start3A_84 = tpu.memref_slice %arg4[%mul3A_2, %dma_start3A_83] : memref<16384x64xf32, #tpu.memory_space<hbm>> -> memref<512x64xf32, #tpu.memory_space<hbm>>
      tpu.enqueue_dma source(%arg6 : memref<512x64xf32, #tpu.memory_space<vmem>>) target(%dma_start3A_84 : memref<512x64xf32, #tpu.memory_space<hbm>>) target_semaphore(%run_scoped3A : memref<!tpu.dma_semaphore, #tpu.memory_space<semaphore_mem>>)
      %dma_wait3A_85 = arith.constant 0 : i32
      %dma_wait3A_86 = tpu.memref_slice %arg4[%mul3A_2, %dma_wait3A_85] : memref<16384x64xf32, #tpu.memory_space<hbm>> -> memref<512x64xf32, #tpu.memory_space<hbm>>
      %dma_wait3A_87 = arith.constant 0 : i32
      %dma_wait3A_88 = tpu.memref_slice %arg4[%mul3A_2, %dma_wait3A_87] : memref<16384x64xf32, #tpu.memory_space<hbm>> -> memref<512x64xf32, #tpu.memory_space<hbm>>
      tpu.wait_dma2 semaphore(%run_scoped3A : memref<!tpu.dma_semaphore, #tpu.memory_space<semaphore_mem>>) src(%arg6 : memref<512x64xf32, #tpu.memory_space<vmem>>) dst(%dma_wait3A_88 : memref<512x64xf32, #tpu.memory_space<hbm>>)
      tpu.yield
    }) : () -> ()
    return
  }
}

module attributes {stable_mosaic.version = 14 : i64} {
  func.func @_dist_argmin_body(%arg0: i32, %arg1: memref<512x64xf32, #tpu.memory_space<vmem>>, %arg2: memref<8192x64xf32, #tpu.memory_space<vmem>>, %arg3: memref<1x1x512xi32, #tpu.memory_space<vmem>>, %arg4: memref<1x1xf32, #tpu.memory_space<smem>>) attributes {dimension_semantics = [#tpu.dimension_semantics<arbitrary>], iteration_bounds = array<i64: 32>, scalar_prefetch = 0 : i64, scratch_operands = 0 : i64, tpu.core_type = #tpu.core_type<tc>, window_params = [{transform_indices = @transform_0, window_bounds = array<i64: 512, 64>}, {pipeline_mode = #tpu.pipeline_mode<synchronous>, transform_indices = @transform_1, window_bounds = array<i64: 8192, 64>}, {transform_indices = @transform_2, window_bounds = array<i64: 1, 1, 512>}, {transform_indices = @transform_3, window_bounds = array<i64: 1, 1>}]} {
    %get3A = arith.constant 0 : index
    %get3A_0 = arith.constant 0 : index
    %get3A_1 = vector.load %arg1[%get3A, %get3A_0] : memref<512x64xf32, #tpu.memory_space<vmem>>, vector<512x64xf32>
    %mul3A = arith.mulf %get3A_1, %get3A_1 : vector<512x64xf32>
    %reduce_sum3A = arith.constant dense<0.000000e+00> : vector<512xf32>
    %reduce_sum3A_2 = vector.multi_reduction <add>, %mul3A, %reduce_sum3A [1] : vector<512x64xf32> to vector<512xf32>
    %broadcast_in_dim3A = vector.shape_cast %reduce_sum3A_2 : vector<512xf32> to vector<512x1xf32>
    %broadcast_in_dim3A_3 = arith.constant 0x7F800000 : f32
    %broadcast_in_dim3A_4 = vector.broadcast %broadcast_in_dim3A_3 : f32 to vector<512xf32>
    %broadcast_in_dim3A_5 = arith.constant 0 : i32
    %broadcast_in_dim3A_6 = vector.broadcast %broadcast_in_dim3A_5 : i32 to vector<512xi32>
    %scan3A = arith.constant 0 : i32
    %scan3A_7 = arith.constant 8 : i32
    %scan3A_8 = arith.addi %scan3A, %scan3A_7 : i32
    %scan3A_9 = arith.constant 1 : i32
    %scan3A_10:2 = scf.for %scan3A_30 = %scan3A to %scan3A_8 step %scan3A_9 iter_args(%scan3A_31 = %broadcast_in_dim3A_4, %scan3A_32 = %broadcast_in_dim3A_6) -> (vector<512xf32>, vector<512xi32>)  : i32 {
      %mul3A_33 = arith.constant 1024 : i32
      %mul3A_34 = arith.muli %scan3A_30, %mul3A_33 : i32
      %get3A_35 = arith.index_cast %mul3A_34 : i32 to index
      %get3A_36 = arith.constant 0 : index
      %get3A_37 = vector.load %arg2[%get3A_35, %get3A_36] : memref<8192x64xf32, #tpu.memory_space<vmem>>, vector<1024x64xf32>
      %mul3A_38 = arith.mulf %get3A_37, %get3A_37 : vector<1024x64xf32>
      %reduce_sum3A_39 = arith.constant dense<0.000000e+00> : vector<1024xf32>
      %reduce_sum3A_40 = vector.multi_reduction <add>, %mul3A_38, %reduce_sum3A_39 [1] : vector<1024x64xf32> to vector<1024xf32>
      %broadcast_in_dim3A_41 = vector.shape_cast %reduce_sum3A_40 : vector<1024xf32> to vector<1x1024xf32>
      %dot_general3A = arith.constant dense<0.000000e+00> : vector<512x1024xf32>
      %dot_general3A_42 = tpu.matmul %get3A_1, %get3A_37, %dot_general3A {dimension_numbers = #tpu.dot_dimension_numbers<[1], [1], [0], [0], [0, 0, 1, 0], [], []>, transpose_lhs_hint = false} : vector<512x64xf32>, vector<1024x64xf32>, vector<512x1024xf32> -> vector<512x1024xf32>
      %mul3A_43 = arith.constant 2.000000e+00 : f32
      %mul3A_44 = vector.broadcast %mul3A_43 : f32 to vector<512x1024xf32>
      %mul3A_45 = arith.mulf %mul3A_44, %dot_general3A_42 : vector<512x1024xf32>
      %add3A_46 = vector.broadcast %broadcast_in_dim3A : vector<512x1xf32> to vector<512x1024xf32>
      %add3A_47 = vector.broadcast %broadcast_in_dim3A_41 : vector<1x1024xf32> to vector<512x1024xf32>
      %add3A_48 = arith.addf %add3A_46, %add3A_47 : vector<512x1024xf32>
      %sub3A = arith.subf %add3A_48, %mul3A_45 : vector<512x1024xf32>
      %reduce_min3A = arith.constant dense<0x7F800000> : vector<512xf32>
      %reduce_min3A_49 = vector.multi_reduction <minimumf>, %sub3A, %reduce_min3A [1] : vector<512x1024xf32> to vector<512xf32>
      %broadcast_in_dim3A_50 = vector.shape_cast %reduce_min3A_49 : vector<512xf32> to vector<512x1xf32>
      %iota3A = tpu.iota {dimensions = array<i32: 1>} : vector<512x1024xi32>
      %mul3A_51 = arith.constant 1024 : i32
      %mul3A_52 = arith.muli %scan3A_30, %mul3A_51 : i32
      %add3A_53 = vector.broadcast %mul3A_52 : i32 to vector<512x1024xi32>
      %add3A_54 = arith.addi %iota3A, %add3A_53 : vector<512x1024xi32>
      %eq3A_55 = vector.broadcast %broadcast_in_dim3A_50 : vector<512x1xf32> to vector<512x1024xf32>
      %eq3A_56 = arith.cmpf oeq, %sub3A, %eq3A_55 : vector<512x1024xf32>
      %jit3A = arith.constant 2147483647 : i32
      %broadcast_in_dim3A_57 = vector.broadcast %jit3A : i32 to vector<512x1024xi32>
      %select_n3A = arith.select %eq3A_56, %add3A_54, %broadcast_in_dim3A_57 : vector<512x1024xi1>, vector<512x1024xi32>
      %reduce_min3A_58 = arith.constant dense<2147483647> : vector<512xi32>
      %reduce_min3A_59 = vector.multi_reduction <minsi>, %select_n3A, %reduce_min3A_58 [1] : vector<512x1024xi32> to vector<512xi32>
      %squeeze3A = vector.shape_cast %broadcast_in_dim3A_50 : vector<512x1xf32> to vector<512xf32>
      %lt3A = arith.cmpf olt, %squeeze3A, %scan3A_31 : vector<512xf32>
      %select_n3A_60 = arith.select %lt3A, %squeeze3A, %scan3A_31 : vector<512xi1>, vector<512xf32>
      %select_n3A_61 = arith.select %lt3A, %reduce_min3A_59, %scan3A_32 : vector<512xi1>, vector<512xi32>
      scf.yield %select_n3A_60, %select_n3A_61 : vector<512xf32>, vector<512xi32>
    }
    %scan3A_11 = arith.constant 8 : i32
    %swap3A = arith.constant 0 : index
    %swap3A_12 = arith.constant 0 : index
    %swap3A_13 = arith.constant 0 : index
    %swap3A_14 = vector.load %arg3[%swap3A, %swap3A_12, %swap3A_13] : memref<1x1x512xi32, #tpu.memory_space<vmem>>, vector<1x1x512xi32>
    %swap3A_15 = vector.shape_cast %swap3A_14 : vector<1x1x512xi32> to vector<512xi32>
    %swap3A_16 = vector.shape_cast %scan3A_10#1 : vector<512xi32> to vector<1x1x512xi32>
    tpu.vector_store %arg3[%swap3A, %swap3A_12, %swap3A_13], %swap3A_16 {strides = array<i32>} : memref<1x1x512xi32, #tpu.memory_space<vmem>>, vector<1x1x512xi32>,
    %eq3A = arith.constant 0 : i32
    %eq3A_17 = arith.cmpi eq, %arg0, %eq3A : i32
    %convert_element_type3A = arith.extui %eq3A_17 : i1 to i32
    %cond3A = arith.constant 0 : i32
    %cond3A_18 = arith.cmpi ne, %convert_element_type3A, %cond3A : i32
    scf.if %cond3A_18 {
      %swap3A_30 = arith.constant 0.000000e+00 : f32
      %swap3A_31 = arith.constant 0 : index
      %swap3A_32 = arith.constant 0 : index
      %swap3A_33 = memref.load %arg4[%swap3A_31, %swap3A_32] : memref<1x1xf32, #tpu.memory_space<smem>>
      memref.store %swap3A_30, %arg4[%swap3A_31, %swap3A_32] : memref<1x1xf32, #tpu.memory_space<smem>>
    } else {
    }
    %get3A_19 = arith.constant 0 : index
    %get3A_20 = arith.constant 0 : index
    %get3A_21 = memref.load %arg4[%get3A_19, %get3A_20] : memref<1x1xf32, #tpu.memory_space<smem>>
    %reduce_sum3A_22 = vector.shape_cast %scan3A_10#0 : vector<512xf32> to vector<1x512xf32>
    %reduce_sum3A_23 = arith.constant dense<0.000000e+00> : vector<1xf32>
    %reduce_sum3A_24 = vector.multi_reduction <add>, %reduce_sum3A_22, %reduce_sum3A_23 [1] : vector<1x512xf32> to vector<1xf32>
    %reduce_sum3A_25 = vector.shape_cast %reduce_sum3A_24 : vector<1xf32> to vector<1x1xf32>
    %reduce_sum3A_26 = vector.extract %reduce_sum3A_25[0, 0] : f32 from vector<1x1xf32>
    %add3A = arith.addf %get3A_21, %reduce_sum3A_26 : f32
    %swap3A_27 = arith.constant 0 : index
    %swap3A_28 = arith.constant 0 : index
    %swap3A_29 = memref.load %arg4[%swap3A_27, %swap3A_28] : memref<1x1xf32, #tpu.memory_space<smem>>
    memref.store %add3A, %arg4[%swap3A_27, %swap3A_28] : memref<1x1xf32, #tpu.memory_space<smem>>
    return
  }
  func.func @transform_0(%arg0: i32) -> (i32, i32) {
    %c0_i32 = arith.constant 0 : i32
    %c0_i32_0 = arith.constant 0 : i32
    return %arg0, %c0_i32 : i32, i32
  }
  func.func @transform_1(%arg0: i32) -> (i32, i32) {
    %c0_i32 = arith.constant 0 : i32
    %c0_i32_0 = arith.constant 0 : i32
    %c0_i32_1 = arith.constant 0 : i32
    return %c0_i32, %c0_i32_0 : i32, i32
  }
  func.func @transform_2(%arg0: i32) -> (i32, i32, i32) {
    %c0_i32 = arith.constant 0 : i32
    %c0_i32_0 = arith.constant 0 : i32
    %c0_i32_1 = arith.constant 0 : i32
    return %arg0, %c0_i32, %c0_i32_0 : i32, i32, i32
  }
  func.func @transform_3(%arg0: i32) -> (i32, i32) {
    %c0_i32 = arith.constant 0 : i32
    %c0_i32_0 = arith.constant 0 : i32
    %c0_i32_1 = arith.constant 0 : i32
    return %c0_i32, %c0_i32_0 : i32, i32
  }
}

</mosaic_0001>

<sc_bundles>
// kernel: kernel.4.cloned.1.call-start
scs
__scs_entry_jumppad:
0x0: {  	(pc) =	sbr.rel $0x88, $3  }
0x1: {  	(tag) =	ssettag $0x0;
	lr =	simm.s32 $0x1  }
0x2: {  	[smem:$0x3F9F] =	sst lr;
	_ =	strace $0xD0000000  }
0x3: {  	_ = 	snop  }
0x4: {  	_ = 	snop  }
0x5: {  	_ = 	snop  }
0x6: {  	_ = 	snop  }
0x7: {  	_ = 	snop  }
__scs_overlays_trampoline_lowered:
0x8: {  	[smem:$0x3FAE] =	sst s0  }
0x9: {  	[smem:$0x3FAF] =	sst s1  }
0xa: {  	[smem:$0x3FB0] =	sst s2  }
0xb: {  	[smem:$0x3FB1] =	sst s3  }
0xc: {  	[smem:$0x3FB2] =	sst s4  }
0xd: {  	[smem:$0x3FB3] =	sst s5  }
0xe: {  	[smem:$0x3FB4] =	sst s6  }
0xf: {  	[smem:$0x3FB5] =	sst s7  }
0x10: {  	[smem:$0x3FB6] =	sst s8  }
0x11: {  	[smem:$0x3FB7] =	sst s9;
	s0 =	simm.s32 @!p0 $0x0  }
0x12: {  	s1 =	sld [smem:$0x3F9D];
	s0 =	simm.s32 @p0 $0x1  }
0x13: {  	[smem:$0x3FB8] =	sst s0;
	s0 =	simm.s32 @!p1 $0x0  }
0x14: {  	s2 =	sld [smem:$0x3F9C];
	s0 =	simm.s32 @p1 $0x1  }
0x15: {  	[smem:$0x3FB9] =	sst s0;
	s0 =	simm.s32 @!p2 $0x0  }
0x16: {  	s3 =	sld [smem:$0x3FDB];
	s0 =	simm.s32 @p2 $0x1  }
0x17: {  	s4 =	simm.s32 $0x1BF5;
	[smem:$0x3FBB] =	sst s0  }
0x18: {  	s0 =	sld [smem:$0x3F9E];
	_ =	swait.ge [sflag:s4], $0x0  }
0x19: {  	s7 =	sld [smem:$0x3F9F]  }
0x1a: {  	s8 =	sadd.s32 $0xFFFFE003, lr  }
0x1b: {  	s9 =	sadd.s32 $0xFFFFFEF7, lr;
	s5 =	simm.s32 $0xFFFFFFFF;
	p2 =	slt.u32 s8, $0xFFFFF086  }
0x1c: {  	p1 =	slt.u32 s9, $0xF7A;
	s5 =	simm.s32 @!p2 $0x0  }
0x1d: {  	s5 =	simm.s32 @p1 $0x1;
	p0 =	seq.s32 s7, s2  }
0x1e: {  	s7 =	smul.u32 @!p0 $0xF7A, s2;
	p2 =	seq.s32 @!p0 s5, $0x0  }
0x1f: {  	s9 =	smul.u32 $0xF7A, s1;
	s8 =	simm.s32 @!p0 $0x1BF5;
	p2 =	por !p2, p0  }
0x20: {  	[sflag:s8] =	ssyncset.s32 @!p0 $0xFFFFF086;
	s6 =	sadd.s32 @!p0 s3, s7;
	s7 =	simm.s32 @!p0 $0x108  }
0x21: {  	s3 =	sadd.s32 s3, s9;
	s6 =	sadd.s32 @!p0 $0x88, s6;
	s7 =	simm.s32 @p2 $0x1082  }
0x22: {  	[simem:s7], [sflag:s8] =	dma.local @!p0 [hbm:s6], $0xF7A  }
0x23: {  	s9 =	sor.u32 $0xD0000000, s2;
	s6 =	simm.s32 $0x108;
	_ =	swait.ge @!p0 [sflag:s8], $0x0  }
0x24: {  	s3 =	sadd.s32 $0x88, s3;
	s6 =	simm.s32 @!p1 $0x1082;
	[sflag:s4] =	ssyncset.s32 $0xFFFFF086  }
0x25: {  	[simem:s6], [sflag:s4] =	dma.local [hbm:s3], $0xF7A  }
0x26: {  	[smem:$0x3F9F] =	sst s1;
	(tag) =	ssettag s2;
	_ =	strace s9  }
0x27: {  	s1 =	sld [smem:$0x3FAF]  }
0x28: {  	s2 =	sld [smem:$0x3FB0]  }
0x29: {  	s4 =	sld [smem:$0x3FB2]  }
0x2a: {  	p0 =	seq.s32 s5, $0x0;
	s5 =	sld [smem:$0x3FB3]  }
0x2b: {  	s6 =	sld [smem:$0x3FB4]  }
0x2c: {  	s7 =	sld [smem:$0x3FB5]  }
0x2d: {  	s3 =	simm.s32 $0x108;
	s8 =	sld [smem:$0x3FB6]  }
0x2e: {  	s3 =	simm.s32 @!p0 $0x1082;
	s9 =	sld [smem:$0x3FB7]  }
0x2f: {  	lr =	sadd.s32 s0, s3;
	s0 =	sld [smem:$0x3FAE]  }
0x30: {  	s3 =	sld [smem:$0x3FB1]  }
0x31: {  	[smem:$0x3FBA] =	sst s10  }
0x32: {  	s10 =	sld [smem:$0x3FB8];
	_ =	sdelay $0x3  }
0x33: {  	p0 =	seq.s32 s10, $0x1;
	s10 =	sld [smem:$0x3FBA];
	_ =	sdelay $0x3  }
0x34: {  	[smem:$0x3FBA] =	sst s10  }
0x35: {  	s10 =	sld [smem:$0x3FB9];
	_ =	sdelay $0x3  }
0x36: {  	p1 =	seq.s32 s10, $0x1;
	s10 =	sld [smem:$0x3FBA];
	_ =	sdelay $0x3  }
0x37: {  	[smem:$0x3FBA] =	sst s10  }
0x38: {  	s10 =	sld [smem:$0x3FBB]  }
0x39: {  	_ = 	snop;
	(pc) =	sbr.ind lr, $3  }
0x3a: {  	_ = 	snop  }
0x3b: {  	_ = 	snop  }
0x3c: {  	p2 =	seq.s32 s10, $0x1;
	s10 =	sld [smem:$0x3FBA]  }
0x3d: {  	_ =	shalt  }
0x3e: {  	_ =	shalt  }
0x3f: {  	_ =	shalt  }
0x40: {  	_ =	shalt  }
0x41: {  	_ =	shalt  }
0x42: {  	_ =	shalt  }
0x43: {  	_ =	shalt  }
0x44: {  	_ =	shalt  }
0x45: {  	_ =	shalt  }
0x46: {  	_ =	shalt  }
0x47: {  	_ =	shalt  }
0x48: {  	_ =	shalt  }
0x49: {  	_ =	shalt  }
0x4a: {  	_ =	shalt  }
0x4b: {  	_ =	shalt  }
0x4c: {  	_ =	shalt  }
0x4d: {  	_ =	shalt  }
0x4e: {  	_ =	shalt  }
0x4f: {  	_ =	shalt  }
0x50: {  	_ =	shalt  }
0x51: {  	_ =	shalt  }
0x52: {  	_ =	shalt  }
0x53: {  	_ =	shalt  }
0x54: {  	_ =	shalt  }
0x55: {  	_ =	shalt  }
0x56: {  	_ =	shalt  }
0x57: {  	_ =	shalt  }
0x58: {  	_ =	shalt  }
0x59: {  	_ =	shalt  }
0x5a: {  	_ =	shalt  }
0x5b: {  	_ =	shalt  }
0x5c: {  	_ =	shalt  }
0x5d: {  	_ =	shalt  }
0x5e: {  	_ =	shalt  }
0x5f: {  	_ =	shalt  }
0x60: {  	_ =	shalt  }
0x61: {  	_ =	shalt  }
0x62: {  	_ =	shalt  }
0x63: {  	_ =	shalt  }
0x64: {  	_ =	shalt  }
0x65: {  	_ =	shalt  }
0x66: {  	_ =	shalt  }
0x67: {  	_ =	shalt  }
0x68: {  	_ =	shalt  }
0x69: {  	_ =	shalt  }
0x6a: {  	_ =	shalt  }
0x6b: {  	_ =	shalt  }
0x6c: {  	_ =	shalt  }
0x6d: {  	_ =	shalt  }
0x6e: {  	_ =	shalt  }
0x6f: {  	_ =	shalt  }
0x70: {  	_ =	shalt  }
0x71: {  	_ =	shalt  }
0x72: {  	_ =	shalt  }
0x73: {  	_ =	shalt  }
0x74: {  	_ =	shalt  }
0x75: {  	_ =	shalt  }
0x76: {  	_ =	shalt  }
0x77: {  	_ =	shalt  }
0x78: {  	_ =	shalt  }
0x79: {  	_ =	shalt  }
0x7a: {  	_ =	shalt  }
0x7b: {  	_ =	shalt  }
0x7c: {  	_ =	shalt  }
0x7d: {  	_ =	shalt  }
0x7e: {  	_ =	shalt  }
0x7f: {  	_ =	shalt  }
0x80: {  	_ =	shalt  }
0x81: {  	_ =	shalt  }
0x82: {  	_ =	shalt  }
0x83: {  	_ =	shalt  }
0x84: {  	_ =	shalt  }
0x85: {  	_ =	shalt  }
0x86: {  	_ =	shalt  }
0x87: {  	_ =	shalt  }
.Lfunc_end0:
.L_simem_size_0:
called_computation_lowered:
.L_overlay_start_0:
0x88: {  	s2 =	sld [smem:$0x3FD9]  }
0x89: {  	s3 =	sld [smem:$0x3FFE];
	_ =	sdelay $0x1  }
0x8a: {  	s1 =	srdreg.scid  }
0x8b: {  	s0 =	sand.u32 $0x1, s1  }
0x8c: {  	s14 =	sshll.u32 s0, $0xA;
	s2 =	sadd.s32 s3, s2  }
0x8d: {  	s2 =	sadd.s32 s2, s14  }
0x8e: {  	[smem:$0x3FC6] =	sst s2  }
0x8f: {  	_ = 	snop  }
0x90: {  	s2 =	sld [smem:$0x3FD0];
	_ =	sdelay $0x2  }
0x91: {  	s15 =	simm.s32 $0xA;
	s4 =	simm.s32 $0x10  }
0x92: {  	[smem:s4], [sflag:s15] =	dma.local [hbm:s2], $0x1  }
0x93: {  	_ =	swait.eq [sflag:s15], $0x1  }
0x94: {  	[sflag:s15] =	ssyncset.done $0x0  }
0x95: {  	[sflag:s15] =	ssyncadd.s32 $0xFFFFFFFF  }
0x96: {  	s16 =	sld [smem:$0x10];
	(tm) =	ssettm $0x1  }
0x97: {  	s17 =	sld [smem:$0x3FFB];
	_ =	sdelay $0x3  }
0x98: {  	_ =	strace s17  }
0x99: {  	s3 =	sld [smem:$0x3FFC];
	_ =	sdelay $0x3  }
0x9a: {  	_ =	strace s3  }
0x9b: {  	s3 =	sld [smem:$0x3FFD];
	_ =	sdelay $0x3  }
0x9c: {  	_ =	strace s3  }
0x9d: {  	_ =	strace $0x8FFFFFFF  }
0x9e: {  	s18 =	sld [smem:$0x3FDB];
	_ =	sdelay $0x1  }
0x9f: {  	s19 =	simm.s32 $_scs_section_size  }
0xa0: {  	s5 =	simm.s32 $_size__tile_overlayer_lowered;
	s6 =	simm.s32 $_tile_overlayer_lowered  }
0xa1: {  	s22 =	simm.s32 $0x1BFF;
	s21 =	sshll.u32 s6, $0x1;
	s3 =	sadd.s32 s19, s18  }
0xa2: {  	s7 =	simm.s32 $0x0;
	s20 =	sshll.u32 s5, $0x1;
	s5 =	sadd.s32 s21, s3  }
0xa3: {  	[timem:s7], [sflag:s22] =	dma.local [hbm:s5], s20  }
0xa4: {  	_ =	swait.ge [sflag:s22], s20  }
0xa5: {  	s4 =	ssub.s32 $0x0, s20;
	[sflag:s22] =	ssyncset.done $0x0  }
0xa6: {  	[sflag:s22] =	ssyncadd.s32 s4;
	_ =	sdelay $0x1  }
0xa7: {  	s23 =	simm.s32 $0x1B8B  }
0xa8: {  	_ =	swait.ge [sflag:s23], $0x1  }
0xa9: {  	[sflag:s23] =	ssyncset.done $0x0  }
0xaa: {  	s25 =	simm.s32 $0x1B8E;
	s24 =	sld [smem:$0x3FFE];
	[sflag:s23] =	ssyncadd.s32 $0xFFFFFFFF  }
0xab: {  	s26 =	simm.s32 $execute0_lowered;
	[smem:$0x3FD2] =	sst s25  }
0xac: {  	s5 =	sshll.u32 s26, $0x1;
	_ =	strace $0x80000046;
	[dreg:$0x1] =	wrdreg $0xFFFFFFFF  }
0xad: {  	s28 =	simm.s32 $_size_execute0_lowered;
	s3 =	sadd.s32 s3, s5;
	[dreg:$0x0] =	wrdreg $0x0  }
0xae: {  	s5 =	sshll.u32 s28, $0x1;
	[dreg:$0x2] =	wrdreg s3  }
0xaf: {  	[dreg:$0x3] =	wrdreg s5  }
0xb0: {  	[dreg:$0x4] =	wrdreg $0xC0  }
0xb1: {  	_ =	task [dreg:s7], $0x5FFFF  }
0xb2: {  	[dreg:$0x1] =	wrdreg $0xFFFFFFFF  }
0xb3: {  	[dreg:$0x0] =	wrdreg $0x60  }
0xb4: {  	[dreg:$0x2] =	wrdreg s16  }
0xb5: {  	[dreg:$0x3] =	wrdreg s24  }
0xb6: {  	[dreg:$0x4] =	wrdreg $0x9  }
0xb7: {  	_ =	task.clear_ibuf [dreg:s7], $0x5FFFF;
	_ =	strace $0x90000046  }
0xb8: {  	s29 =	simm.s32 $0x9;
	_ =	strace $0x80000048  }
0xb9: {  	_ =	swait.ge [sflag:s29], $0x1  }
0xba: {  	[sflag:s29] =	ssyncadd.s32 $0xFFFFFFFF  }
0xbb: {  	_ =	strace $0x90000048  }
0xbc: {  	_ =	sfence  }
0xbd: {  	s30 =	sld [smem:$0x0];
	_ =	sdelay $0x2  }
0xbe: {  	s31 =	sshll.u32 s1, $0xD;
	s1 =	sshrl.u32 s1, $0x2  }
0xbf: {  	s3 =	sand.u32 $0x4000, s31;
	s1 =	sadd.s32 s1, s30  }
0xc0: {  	s0 =	sor.u32 s3, s0;
	s1 =	sshll.u32 s1, $0x11  }
0xc1: {  	s0 =	sor.u32 s1, s0  }
0xc2: {  	s0 =	sadd.s32 $0x8F2B, s0  }
0xc3: {  	[sflag:s0] =	ssyncadd.remote.s32 $0x1  }
0xc4: {  	_ =	sfence.sel $0xFFFF  }
0xc5: {  	[dreg:$0x0] =	wrdreg $0xFFFFFFFF;
	(pc) =	sbr.abs _section_cstart, $3  }
0xc6: {  	[dreg:$0x1] =	wrdreg $0xFFFFFFFF  }
0xc7: {  	_ =	task.clear_ibuf [dreg:s7], $0x2FFFF;
	_ =	strace $0x9FFFFFFF  }
0xc8: {  	(tm) =	ssettm $0x7FFFFFFF  }
0xc9: {  	_ =	shalt  }
tec
execute0_lowered:
.L_overlay_start_1:
0x0: {  	(tag) =	ssettag $0x1  }
0x1: {  	s1 =	srdreg.scid  }
0x2: {  	s0 =	stileid.u32;
	s14 =	sand.u32 $0x1, s1  }
0x3: {  	s2 =	rddreg [dreg:$0x0];
	s29 =	sshll.u32 s0, $0xA;
	s3 =	sshll.u32 s14, $0x9  }
0x4: {  	s15 =	rddreg [dreg:$0x1];
	s16 =	sor.u32 s3, s29  }
0x5: {  	s1 =	rddreg [dreg:$0x2];
	s3 =	simm.s32 $0x0;
	s4 =	sshrl.u32 s16, $0x3  }
0x6: {  	[smem:$0x7FF] =	sst s3;
	s4 =	sadd.s32 s4, s15  }
0x7: {  	_ =	strace $0x80000047;
	s5 =	sadd.s32 $0x800, s4;
	s4 =	simm.s32 $0x2  }
0x8: {  	[tilespmem:s3], [sflag:$0x2] =	stream.linear.gather [hbm4b:s5+s3], $0x200, $0x38;
	[tilespmem:$0x8200] =	vst v63  }
0x9: {  	_ =	swait.ge [sflag:s4], $0x200  }
0xa: {  	[sflag:s4] =	ssyncset.done $0x0  }
0xb: {  	s6 =	simm.s32 $0x80;
	s7 =	simm.s32 $0x200;
	[sflag:s4] =	ssyncadd.s32 $0xFFFFFE00  }
0xc: {  	[tilespmem:s7], [sflag:$0x1] =	stream.indirect.gather [hbm4b:s2+s6], $0x40, s3, s6, $0xb8;
	[tilespmem:$0x8200] =	vst v63  }
0xd: {  	s8 =	simm.s32 $0x2200  }
0xe: {  	[tilespmem:s8], [sflag:$0x1] =	stream.indirect.gather [hbm4b:s2+s6], $0x40, s6, s6, $0xb8;
	[tilespmem:$0x8200] =	vst v63  }
0xf: {  	s9 =	simm.s32 $0x100;
	s10 =	simm.s32 $0x4200  }
0x10: {  	[tilespmem:s10], [sflag:$0x1] =	stream.indirect.gather [hbm4b:s2+s6], $0x40, s9, s6, $0xb8;
	[tilespmem:$0x8200] =	vst v63  }
0x11: {  	s11 =	simm.s32 $0x180;
	s12 =	simm.s32 $0x6200;
	s13 =	simm.s32 $0x1  }
0x12: {  	[tilespmem:s12], [sflag:$0x1] =	stream.indirect.gather [hbm4b:s2+s6], $0x40, s11, s6, $0xb8;
	[tilespmem:$0x8200] =	vst v63  }
0x13: {  	_ =	swait.ge [sflag:s13], $0x2000  }
0x14: {  	[sflag:s13] =	ssyncset.done $0x0  }
0x15: {  	[sflag:s13] =	ssyncadd.s32 $0xFFFFE000  }
0x16: {  	_ =	swait.ge [sflag:s13], $0x2000  }
0x17: {  	[sflag:s13] =	ssyncset.done $0x0  }
0x18: {  	s14 =	ssub.s32 $0x2, s14;
	[sflag:s13] =	ssyncadd.s32 $0xFFFFE000  }
0x19: {  	s17 =	sshrl.u32 s14, $0x1;
	_ =	swait.ge [sflag:s13], $0x2000  }
0x1a: {  	s30 =	ssub.s32 s14, s17;
	[sflag:s13] =	ssyncset.done $0x0  }
0x1b: {  	s31 =	smax.u32 s30, $0x1;
	[sflag:s13] =	ssyncadd.s32 $0xFFFFE000  }
0x1c: {  	s16 =	sshll.u32 s16, $0x3;
	p0 =	sne.s32 s31, $0x1;
	_ =	swait.ge [sflag:s13], $0x2000  }
.Ltmp0:
0x1d: {  	s15 =	sadd.s32 s16, s15;
	[sflag:s13] =	ssyncset.done $0x0;
	(pc) =	sbr.rel @!p0 .LBB2_2-.Ltmp0, $4  }
0x1e: {  	s14 =	sadd.s32 $0x1000, s15;
	[sflag:s13] =	ssyncadd.s32 $0xFFFFE000  }
0x1f: {  	[hbm4b:s14+s3] =	stream.linear.scatter [tilespmem:s7], [sflag:$0x2], $0x8000, $0x38;
	[tilespmem:$0x8200] =	vst v63  }
0x20: {  	_ =	swait.ge [sflag:s4], $0x8000  }
0x21: {  	s15 =	sadd.s32 $0xFFFFFFFF, s31;
	[sflag:s4] =	ssyncset.done $0x0  }
.LBB2_1:
0x22: {  	p0 =	sne.s32 s15, $0x1;
	s15 =	sadd.s32 $0xFFFFFFFF, s15;
	[sflag:s4] =	ssyncadd.s32 $0xFFFF8000  }
0x23: {  	[tilespmem:s3], [sflag:$0x2] =	stream.linear.gather [hbm4b:s5+s3], $0x200, $0x38;
	[tilespmem:$0x8200] =	vst v63  }
0x24: {  	_ =	swait.ge [sflag:s4], $0x200  }
0x25: {  	[sflag:s4] =	ssyncset.done $0x0  }
0x26: {  	[sflag:s4] =	ssyncadd.s32 $0xFFFFFE00  }
0x27: {  	[tilespmem:s7], [sflag:$0x1] =	stream.indirect.gather [hbm4b:s2+s6], $0x40, s3, s6, $0xb8;
	[tilespmem:$0x8200] =	vst v63  }
0x28: {  	_ = 	snop  }
0x29: {  	[tilespmem:s8], [sflag:$0x1] =	stream.indirect.gather [hbm4b:s2+s6], $0x40, s6, s6, $0xb8;
	[tilespmem:$0x8200] =	vst v63  }
0x2a: {  	_ = 	snop  }
0x2b: {  	[tilespmem:s10], [sflag:$0x1] =	stream.indirect.gather [hbm4b:s2+s6], $0x40, s9, s6, $0xb8;
	[tilespmem:$0x8200] =	vst v63  }
0x2c: {  	_ = 	snop  }
0x2d: {  	[tilespmem:s12], [sflag:$0x1] =	stream.indirect.gather [hbm4b:s2+s6], $0x40, s11, s6, $0xb8;
	[tilespmem:$0x8200] =	vst v63  }
0x2e: {  	_ =	swait.ge [sflag:s13], $0x2000  }
0x2f: {  	[sflag:s13] =	ssyncset.done $0x0  }
0x30: {  	[sflag:s13] =	ssyncadd.s32 $0xFFFFE000  }
0x31: {  	_ =	swait.ge [sflag:s13], $0x2000  }
0x32: {  	[sflag:s13] =	ssyncset.done $0x0  }
0x33: {  	[sflag:s13] =	ssyncadd.s32 $0xFFFFE000  }
0x34: {  	_ =	swait.ge [sflag:s13], $0x2000  }
0x35: {  	[sflag:s13] =	ssyncset.done $0x0  }
0x36: {  	[sflag:s13] =	ssyncadd.s32 $0xFFFFE000  }
0x37: {  	_ =	swait.ge [sflag:s13], $0x2000  }
.Ltmp1:
0x38: {  	[sflag:s13] =	ssyncset.done $0x0;
	(pc) =	sbr.rel @p0 .LBB2_1-.Ltmp1, $4  }
0x39: {  	[sflag:s13] =	ssyncadd.s32 $0xFFFFE000  }
0x3a: {  	[hbm4b:s14+s3] =	stream.linear.scatter [tilespmem:s7], [sflag:$0x2], $0x8000, $0x38;
	[tilespmem:$0x8200] =	vst v63  }
0x3b: {  	_ =	swait.ge [sflag:s4], $0x8000  }
0x3c: {  	[sflag:s4] =	ssyncset.done $0x0  }
.LBB2_2:
0x3d: {  	[sflag:s4] =	ssyncadd.s32 $0xFFFF8000  }
0x3e: {  	_ =	sfence.sel $0x180000  }
0x3f: {  	[bflag:$0x0] =	sbarrier.arrive $0xFFFF  }
0x40: {  	p0 =	sne.s32 s0, $0x0;
	_ =	strace $0x90000047  }
0x41: {  	s0 =	sadd.s32 @!p0 $0x100000, s1;
	[bflag:$0x2] =	sbarrier.arrive $0xFFFF  }
0x42: {  	[sflag:s0] =	ssyncadd.tile.s32 @!p0 $0x1;
	_ =	shalt  }
.Lfunc_end2:
_tile_overlayer_lowered:
.L_overlay_start_2:
0x43: {  	(tag) =	ssettag $0x2  }
0x44: {  	s0 =	rddreg [dreg:$0x0];
	s2 =	stileid.u32  }
0x45: {  	s1 =	rddreg [dreg:$0x1];
	p0 =	sne.s32 s2, $0x0  }
0x46: {  	s3 =	rddreg [dreg:$0x2];
	[bflag:$0x3] =	sbarrier.arrive $0xFFFF;
	s2 =	simm.s32 @!p0 $0x1C02  }
0x47: {  	[timem:s3], [sflag:s2] =	dma.local @!p0 [hbm:s0], s1  }
0x48: {  	s0 =	simm.s32 @!p0 $0x2  }
0x49: {  	_ =	swait.ge @!p0 [sflag:s0], s1  }
0x4a: {  	s1 =	ssub.s32 @!p0 $0x0, s1;
	[sflag:s0] =	ssyncset.done @!p0 $0x0  }
0x4b: {  	[sflag:s0] =	ssyncadd.s32 @!p0 s1  }
0x4c: {  	[bflag:$0x3] =	sbarrier.arrive $0xFFFF  }
0x4d: {  	_ =	shalt  }

</sc_bundles>
